<compile_context>
chip_gen: v7x
topology: tpu7x:2x2x1
jax: 0.10.2.dev20260603
libtpu: 0.0.44.dev20260713+nightly
codegen_flags: <defaults>
</compile_context>

<pallas_src>
import functools

import jax
import jax.numpy as jnp
from jax import lax
from jax.experimental import pallas as pl
from jax.experimental.pallas import tpu as pltpu
from jax.experimental.pallas import tpu_sc as plsc

_H = 32
_T = 2048
_V = 100000
_N = 3
_W = _T - _N + 1
_LANES = 16
_CHUNKS = (_W + _LANES - 1) // _LANES
_TOKPAD = _T + _LANES
_B = 128


@functools.partial(
    pl.kernel,
    mesh=plsc.VectorSubcoreMesh(core_axis_name="c", subcore_axis_name="s"),
    out_type=jax.ShapeDtypeStruct((_H, _B), jnp.float32),
    compiler_params=pltpu.CompilerParams(needs_layout_passes=False),
    scratch_types=[
        pltpu.VMEM((_TOKPAD,), jnp.int32),
        pltpu.VMEM((_B,), jnp.float32),
    ],
)
def _nrb_block(tokens_hbm, lprobs_hbm, blk_hbm, tok_v, blk_v):
    c = lax.axis_index("c")
    s = lax.axis_index("s")
    h = s * 2 + c
    pltpu.sync_copy(tokens_hbm.at[h], tok_v.at[pl.ds(0, _T)])
    pltpu.sync_copy(lprobs_hbm.at[h, pl.ds(0, _B)], blk_v)
    tok_v[pl.ds(_T, _LANES)] = jnp.zeros((_LANES,), jnp.int32)
    last0 = plsc.load_gather(tok_v, [jnp.full((_LANES,), _T - 2, jnp.int32)])
    last1 = plsc.load_gather(tok_v, [jnp.full((_LANES,), _T - 1, jnp.int32)])
    lane = lax.iota(jnp.int32, _LANES)
    neg_inf = jnp.full((_LANES,), -jnp.inf, jnp.float32)

    def body(k, carry):
        w0 = k * _LANES
        t0 = tok_v[pl.ds(w0, _LANES)]
        t1 = tok_v[pl.ds(w0 + 1, _LANES)]
        t2 = tok_v[pl.ds(w0 + 2, _LANES)]
        m = ((t0 == last0) & (t1 == last1) & ((w0 + lane) < _W)
             & (t2 >= 0) & (t2 < _B))
        plsc.store_scatter(blk_v, [t2], neg_inf, mask=m)
        return carry

    lax.fori_loop(0, _CHUNKS, body, 0)
    pltpu.sync_copy(blk_v, blk_hbm.at[h])


def _copy_body(x_ref, o_ref):
    o_ref[...] = x_ref[...]


_copy = pl.pallas_call(
    _copy_body,
    out_shape=jax.ShapeDtypeStruct((_H, _V), jnp.float32),
    grid=(_H // 16,),
    in_specs=[pl.BlockSpec((16, _V), lambda j: (j, 0))],
    out_specs=pl.BlockSpec((16, _V), lambda j: (j, 0)),
)


def kernel(tokens, lprobs, bsz, step, beam_size, no_repeat_ngram_size):
    blk = _nrb_block(tokens, lprobs)
    full = _copy(lprobs)
    return lax.dynamic_update_slice(full, blk, (0, 0))

# --- scband reference (transcript-rebuilt; emitter-appended) ---
"""Pipeline reference for scband-ngrb-55216099558072 (READ-ONLY COPY).

The authoritative reference and input builder live on the scoring server;
editing this copy changes nothing except your own understanding.
"""

import jax, jax.numpy as jnp
import numpy as np


def setup_inputs(seed: int = 0) -> dict:
    key = jax.random.key(seed)
    k1, k2 = jax.random.split(key)
    tokens = jax.random.randint(k1, (32, 2048), 0, 50, dtype=jnp.int32)
    lprobs = jax.random.normal(k2, (32, 100000), dtype=jnp.float32)
    return {
        "tokens": tokens,
        "lprobs": lprobs,
        "bsz": 8,
        "step": 2047,
        "beam_size": 4,
        "no_repeat_ngram_size": 3,
    }


def reference(tokens, lprobs, bsz, step, beam_size, no_repeat_ngram_size):
    # No-repeat-ngram blocking (fairseq NGramRepeatBlock semantics):
    # For each hypothesis, find every earlier occurrence of the last (n-1)
    # generated tokens; the token that followed that occurrence is banned by
    # setting its log-prob to -inf.
    n = 3  # known constant value of no_repeat_ngram_size
    H, V = lprobs.shape
    cur_len = tokens.shape[1]  # number of valid tokens; equals step + 1
    # last (n-1) tokens = current ngram prefix, shape [H, n-1]
    last = tokens[:, cur_len - (n - 1):cur_len]
    # all ngram windows of length (n-1) that could precede a banned token
    W = cur_len - n + 1
    widx = np.arange(W)[:, None] + np.arange(n - 1)[None, :]  # [W, n-1]
    windows = tokens[:, widx]  # [H, W, n-1]
    match = jnp.all(windows == last[:, None, :], axis=-1)  # [H, W]
    banned_tok = tokens[:, np.arange(W) + (n - 1)]  # [H, W]
    # route non-matching windows to a sentinel column V which is later dropped
    banned = jnp.where(match, banned_tok, V)
    lprobs_pad = jnp.concatenate(
        [lprobs, jnp.zeros((H, 1), dtype=lprobs.dtype)], axis=1
    )
    rows = jnp.broadcast_to(jnp.arange(H)[:, None], (H, W))
    lprobs_pad = lprobs_pad.at[rows, banned].set(-jnp.inf)
    blocked = lprobs_pad[:, :V]
    return jnp.where((step + 1) < no_repeat_ngram_size, lprobs, blocked)

if __name__ == "__main__":
    import jax
    _d = setup_inputs()
    print(jax.jit(kernel)(*tuple(_d.values())))

</pallas_src>

<mosaic_0001>
#map = affine_map<(d0, d1) -> (0, 0)>
module attributes {stable_mosaic.version = 14 : i64} {
  func.func @_nrb_block(%arg0: i32, %arg1: i32, %arg2: memref<32x2048xi32, #tpu.memory_space<hbm>>, %arg3: memref<32x100000xf32, #tpu.memory_space<hbm>>, %arg4: memref<32x128xf32, #tpu.memory_space<hbm>>, %arg5: memref<2064xi32, #tpu.memory_space<vmem>>, %arg6: memref<128xf32, #tpu.memory_space<vmem>>) attributes {dimension_semantics = [#tpu.dimension_semantics<core_parallel>, #tpu.dimension_semantics<subcore_parallel>], iteration_bounds = array<i64: 2, 16>, scalar_prefetch = 0 : i64, scratch_operands = 2 : i64, tpu.core_type = #tpu.core_type<sc_vector_subcore>, window_params = [{transform_indices = #map}, {transform_indices = #map}, {transform_indices = #map}]} {
    %mul3A = arith.constant 2 : i32
    %mul3A_0 = arith.muli %arg1, %mul3A : i32
    %add3A = arith.addi %mul3A_0, %arg0 : i32
    "tpu.region"() ({
      %run_scoped3A = tpu.sem_alloc : memref<!tpu.dma_semaphore, #tpu.memory_space<semaphore_mem>>
      %dma_start3A = arith.constant 0 : i32
      %dma_start3A_15 = tpu.memref_slice %arg5[%dma_start3A] : memref<2064xi32, #tpu.memory_space<vmem>> -> memref<2048xi32, #tpu.memory_space<vmem>>
      %dma_start3A_16 = arith.constant 0 : i32
      %dma_start3A_17 = tpu.memref_slice %arg2[%add3A, %dma_start3A_16] : memref<32x2048xi32, #tpu.memory_space<hbm>> -> memref<1x2048xi32, #tpu.memory_space<hbm>>
      %dma_start3A_18 = tpu.memref_squeeze %dma_start3A_17 : memref<1x2048xi32, #tpu.memory_space<hbm>> -> memref<2048xi32, #tpu.memory_space<hbm>>
      %dma_start3A_19 = arith.constant 0 : i32
      %dma_start3A_20 = tpu.memref_slice %arg5[%dma_start3A_19] : memref<2064xi32, #tpu.memory_space<vmem>> -> memref<2048xi32, #tpu.memory_space<vmem>>
      %dma_start3A_21 = arith.constant 0 : i32
      %dma_start3A_22 = tpu.memref_slice %arg2[%add3A, %dma_start3A_21] : memref<32x2048xi32, #tpu.memory_space<hbm>> -> memref<1x2048xi32, #tpu.memory_space<hbm>>
      %dma_start3A_23 = tpu.memref_squeeze %dma_start3A_22 : memref<1x2048xi32, #tpu.memory_space<hbm>> -> memref<2048xi32, #tpu.memory_space<hbm>>
      tpu.enqueue_dma source(%dma_start3A_23 : memref<2048xi32, #tpu.memory_space<hbm>>) target(%dma_start3A_20 : memref<2048xi32, #tpu.memory_space<vmem>>) target_semaphore(%run_scoped3A : memref<!tpu.dma_semaphore, #tpu.memory_space<semaphore_mem>>)
      %dma_wait3A = arith.constant 0 : i32
      %dma_wait3A_24 = tpu.memref_slice %arg5[%dma_wait3A] : memref<2064xi32, #tpu.memory_space<vmem>> -> memref<2048xi32, #tpu.memory_space<vmem>>
      %dma_wait3A_25 = arith.constant 0 : i32
      %dma_wait3A_26 = tpu.memref_slice %arg2[%add3A, %dma_wait3A_25] : memref<32x2048xi32, #tpu.memory_space<hbm>> -> memref<1x2048xi32, #tpu.memory_space<hbm>>
      %dma_wait3A_27 = tpu.memref_squeeze %dma_wait3A_26 : memref<1x2048xi32, #tpu.memory_space<hbm>> -> memref<2048xi32, #tpu.memory_space<hbm>>
      %dma_wait3A_28 = arith.constant 0 : i32
      %dma_wait3A_29 = tpu.memref_slice %arg5[%dma_wait3A_28] : memref<2064xi32, #tpu.memory_space<vmem>> -> memref<2048xi32, #tpu.memory_space<vmem>>
      %dma_wait3A_30 = arith.constant 0 : i32
      %dma_wait3A_31 = tpu.memref_slice %arg2[%add3A, %dma_wait3A_30] : memref<32x2048xi32, #tpu.memory_space<hbm>> -> memref<1x2048xi32, #tpu.memory_space<hbm>>
      %dma_wait3A_32 = tpu.memref_squeeze %dma_wait3A_31 : memref<1x2048xi32, #tpu.memory_space<hbm>> -> memref<2048xi32, #tpu.memory_space<hbm>>
      tpu.wait_dma2 semaphore(%run_scoped3A : memref<!tpu.dma_semaphore, #tpu.memory_space<semaphore_mem>>) src(%dma_wait3A_32 : memref<2048xi32, #tpu.memory_space<hbm>>) dst(%dma_wait3A_29 : memref<2048xi32, #tpu.memory_space<vmem>>)
      tpu.yield
    }) : () -> ()
    "tpu.region"() ({
      %run_scoped3A = tpu.sem_alloc : memref<!tpu.dma_semaphore, #tpu.memory_space<semaphore_mem>>
      %dma_start3A = arith.constant 0 : i32
      %dma_start3A_15 = tpu.memref_slice %arg3[%add3A, %dma_start3A] : memref<32x100000xf32, #tpu.memory_space<hbm>> -> memref<1x128xf32, #tpu.memory_space<hbm>>
      %dma_start3A_16 = tpu.memref_squeeze %dma_start3A_15 : memref<1x128xf32, #tpu.memory_space<hbm>> -> memref<128xf32, #tpu.memory_space<hbm>>
      %dma_start3A_17 = arith.constant 0 : i32
      %dma_start3A_18 = tpu.memref_slice %arg3[%add3A, %dma_start3A_17] : memref<32x100000xf32, #tpu.memory_space<hbm>> -> memref<1x128xf32, #tpu.memory_space<hbm>>
      %dma_start3A_19 = tpu.memref_squeeze %dma_start3A_18 : memref<1x128xf32, #tpu.memory_space<hbm>> -> memref<128xf32, #tpu.memory_space<hbm>>
      tpu.enqueue_dma source(%dma_start3A_19 : memref<128xf32, #tpu.memory_space<hbm>>) target(%arg6 : memref<128xf32, #tpu.memory_space<vmem>>) target_semaphore(%run_scoped3A : memref<!tpu.dma_semaphore, #tpu.memory_space<semaphore_mem>>)
      %dma_wait3A = arith.constant 0 : i32
      %dma_wait3A_20 = tpu.memref_slice %arg3[%add3A, %dma_wait3A] : memref<32x100000xf32, #tpu.memory_space<hbm>> -> memref<1x128xf32, #tpu.memory_space<hbm>>
      %dma_wait3A_21 = tpu.memref_squeeze %dma_wait3A_20 : memref<1x128xf32, #tpu.memory_space<hbm>> -> memref<128xf32, #tpu.memory_space<hbm>>
      %dma_wait3A_22 = arith.constant 0 : i32
      %dma_wait3A_23 = tpu.memref_slice %arg3[%add3A, %dma_wait3A_22] : memref<32x100000xf32, #tpu.memory_space<hbm>> -> memref<1x128xf32, #tpu.memory_space<hbm>>
      %dma_wait3A_24 = tpu.memref_squeeze %dma_wait3A_23 : memref<1x128xf32, #tpu.memory_space<hbm>> -> memref<128xf32, #tpu.memory_space<hbm>>
      tpu.wait_dma2 semaphore(%run_scoped3A : memref<!tpu.dma_semaphore, #tpu.memory_space<semaphore_mem>>) src(%dma_wait3A_24 : memref<128xf32, #tpu.memory_space<hbm>>) dst(%arg6 : memref<128xf32, #tpu.memory_space<vmem>>)
      tpu.yield
    }) : () -> ()
    %broadcast_in_dim3A = arith.constant 0 : i32
    %broadcast_in_dim3A_1 = vector.broadcast %broadcast_in_dim3A : i32 to vector<16xi32>
    %swap3A = arith.constant 2048 : index
    %swap3A_2 = tpu.vector_load %arg5[%swap3A] {strides = array<i32>} : memref<2064xi32, #tpu.memory_space<vmem>>, vector<16xi32>,
    tpu.vector_store %arg5[%swap3A], %broadcast_in_dim3A_1 {strides = array<i32>} : memref<2064xi32, #tpu.memory_space<vmem>>, vector<16xi32>,
    %broadcast_in_dim3A_3 = arith.constant 2046 : i32
    %broadcast_in_dim3A_4 = vector.broadcast %broadcast_in_dim3A_3 : i32 to vector<16xi32>
    %gather3A = tpu.vector_load_idx %arg5[%broadcast_in_dim3A_4] : memref<2064xi32, #tpu.memory_space<vmem>>[vector<16xi32>], vector<16xi32>,
    %broadcast_in_dim3A_5 = arith.constant 2047 : i32
    %broadcast_in_dim3A_6 = vector.broadcast %broadcast_in_dim3A_5 : i32 to vector<16xi32>
    %gather3A_7 = tpu.vector_load_idx %arg5[%broadcast_in_dim3A_6] : memref<2064xi32, #tpu.memory_space<vmem>>[vector<16xi32>], vector<16xi32>,
    %iota3A = tpu.iota {dimensions = array<i32: 0>} : vector<16xi32>
    %broadcast_in_dim3A_8 = arith.constant 0xFF800000 : f32
    %broadcast_in_dim3A_9 = vector.broadcast %broadcast_in_dim3A_8 : f32 to vector<16xf32>
    %scan3A = arith.constant 0 : i32
    %scan3A_10 = arith.constant 0 : i32
    %scan3A_11 = arith.constant 128 : i32
    %scan3A_12 = arith.addi %scan3A_10, %scan3A_11 : i32
    %scan3A_13 = arith.constant 1 : i32
    scf.for %scan3A_15 = %scan3A_10 to %scan3A_12 step %scan3A_13  : i32 {
      %mul3A_16 = arith.constant 16 : i32
      %mul3A_17 = arith.muli %scan3A_15, %mul3A_16 : i32
      %get3A = arith.index_cast %mul3A_17 : i32 to index
      %get3A_18 = tpu.vector_load %arg5[%get3A] {strides = array<i32>} : memref<2064xi32, #tpu.memory_space<vmem>>, vector<16xi32>,
      %add3A_19 = arith.constant 1 : i32
      %add3A_20 = arith.addi %mul3A_17, %add3A_19 : i32
      %get3A_21 = arith.index_cast %add3A_20 : i32 to index
      %get3A_22 = tpu.vector_load %arg5[%get3A_21] {strides = array<i32>} : memref<2064xi32, #tpu.memory_space<vmem>>, vector<16xi32>,
      %add3A_23 = arith.constant 2 : i32
      %add3A_24 = arith.addi %mul3A_17, %add3A_23 : i32
      %get3A_25 = arith.index_cast %add3A_24 : i32 to index
      %get3A_26 = tpu.vector_load %arg5[%get3A_25] {strides = array<i32>} : memref<2064xi32, #tpu.memory_space<vmem>>, vector<16xi32>,
      %eq3A = arith.cmpi eq, %get3A_18, %gather3A : vector<16xi32>
      %eq3A_27 = arith.cmpi eq, %get3A_22, %gather3A_7 : vector<16xi32>
      %and3A = arith.andi %eq3A, %eq3A_27 : vector<16xi1>
      %add3A_28 = vector.broadcast %mul3A_17 : i32 to vector<16xi32>
      %add3A_29 = arith.addi %add3A_28, %iota3A : vector<16xi32>
      %lt3A = arith.constant 2046 : i32
      %lt3A_30 = vector.broadcast %lt3A : i32 to vector<16xi32>
      %lt3A_31 = arith.cmpi slt, %add3A_29, %lt3A_30 : vector<16xi32>
      %and3A_32 = arith.andi %and3A, %lt3A_31 : vector<16xi1>
      %ge3A = arith.constant 0 : i32
      %ge3A_33 = vector.broadcast %ge3A : i32 to vector<16xi32>
      %ge3A_34 = arith.cmpi sge, %get3A_26, %ge3A_33 : vector<16xi32>
      %and3A_35 = arith.andi %and3A_32, %ge3A_34 : vector<16xi1>
      %lt3A_36 = arith.constant 128 : i32
      %lt3A_37 = vector.broadcast %lt3A_36 : i32 to vector<16xi32>
      %lt3A_38 = arith.cmpi slt, %get3A_26, %lt3A_37 : vector<16xi32>
      %and3A_39 = arith.andi %and3A_35, %lt3A_38 : vector<16xi1>
      tpu.vector_store_idx %arg6[%get3A_26], %broadcast_in_dim3A_9 masked %and3A_39 : memref<128xf32, #tpu.memory_space<vmem>>[vector<16xi32>], vector<16xf32>, vector<16xi1>
    }
    %scan3A_14 = arith.constant 128 : i32
    "tpu.region"() ({
      %run_scoped3A = tpu.sem_alloc : memref<!tpu.dma_semaphore, #tpu.memory_space<semaphore_mem>>
      %dma_start3A = arith.constant 0 : i32
      %dma_start3A_15 = tpu.memref_slice %arg4[%add3A, %dma_start3A] : memref<32x128xf32, #tpu.memory_space<hbm>> -> memref<1x128xf32, #tpu.memory_space<hbm>>
      %dma_start3A_16 = tpu.memref_squeeze %dma_start3A_15 : memref<1x128xf32, #tpu.memory_space<hbm>> -> memref<128xf32, #tpu.memory_space<hbm>>
      %dma_start3A_17 = arith.constant 0 : i32
      %dma_start3A_18 = tpu.memref_slice %arg4[%add3A, %dma_start3A_17] : memref<32x128xf32, #tpu.memory_space<hbm>> -> memref<1x128xf32, #tpu.memory_space<hbm>>
      %dma_start3A_19 = tpu.memref_squeeze %dma_start3A_18 : memref<1x128xf32, #tpu.memory_space<hbm>> -> memref<128xf32, #tpu.memory_space<hbm>>
      tpu.enqueue_dma source(%arg6 : memref<128xf32, #tpu.memory_space<vmem>>) target(%dma_start3A_19 : memref<128xf32, #tpu.memory_space<hbm>>) target_semaphore(%run_scoped3A : memref<!tpu.dma_semaphore, #tpu.memory_space<semaphore_mem>>)
      %dma_wait3A = arith.constant 0 : i32
      %dma_wait3A_20 = tpu.memref_slice %arg4[%add3A, %dma_wait3A] : memref<32x128xf32, #tpu.memory_space<hbm>> -> memref<1x128xf32, #tpu.memory_space<hbm>>
      %dma_wait3A_21 = tpu.memref_squeeze %dma_wait3A_20 : memref<1x128xf32, #tpu.memory_space<hbm>> -> memref<128xf32, #tpu.memory_space<hbm>>
      %dma_wait3A_22 = arith.constant 0 : i32
      %dma_wait3A_23 = tpu.memref_slice %arg4[%add3A, %dma_wait3A_22] : memref<32x128xf32, #tpu.memory_space<hbm>> -> memref<1x128xf32, #tpu.memory_space<hbm>>
      %dma_wait3A_24 = tpu.memref_squeeze %dma_wait3A_23 : memref<1x128xf32, #tpu.memory_space<hbm>> -> memref<128xf32, #tpu.memory_space<hbm>>
      tpu.wait_dma2 semaphore(%run_scoped3A : memref<!tpu.dma_semaphore, #tpu.memory_space<semaphore_mem>>) src(%arg6 : memref<128xf32, #tpu.memory_space<vmem>>) dst(%dma_wait3A_24 : memref<128xf32, #tpu.memory_space<hbm>>)
      tpu.yield
    }) : () -> ()
    return
  }
}

module attributes {stable_mosaic.version = 14 : i64} {
  func.func @_copy_body(%arg0: i32, %arg1: memref<16x100000xf32, #tpu.memory_space<vmem>>, %arg2: memref<16x100000xf32, #tpu.memory_space<vmem>>) attributes {dimension_semantics = [#tpu.dimension_semantics<arbitrary>], iteration_bounds = array<i64: 2>, scalar_prefetch = 0 : i64, scratch_operands = 0 : i64, tpu.core_type = #tpu.core_type<tc>, window_params = [{transform_indices = @transform_0, window_bounds = array<i64: 16, 100000>}, {transform_indices = @transform_1, window_bounds = array<i64: 16, 100000>}]} {
    %get3A = arith.constant 0 : index
    %get3A_0 = arith.constant 0 : index
    %get3A_1 = vector.load %arg1[%get3A, %get3A_0] : memref<16x100000xf32, #tpu.memory_space<vmem>>, vector<16x100000xf32>
    %swap3A = arith.constant 0 : index
    %swap3A_2 = arith.constant 0 : index
    %swap3A_3 = vector.load %arg2[%swap3A, %swap3A_2] : memref<16x100000xf32, #tpu.memory_space<vmem>>, vector<16x100000xf32>
    tpu.vector_store %arg2[%swap3A, %swap3A_2], %get3A_1 {strides = array<i32>} : memref<16x100000xf32, #tpu.memory_space<vmem>>, vector<16x100000xf32>,
    return
  }
  func.func @transform_0(%arg0: i32) -> (i32, i32) {
    %c0_i32 = arith.constant 0 : i32
    %c0_i32_0 = arith.constant 0 : i32
    return %arg0, %c0_i32 : i32, i32
  }
  func.func @transform_1(%arg0: i32) -> (i32, i32) {
    %c0_i32 = arith.constant 0 : i32
    %c0_i32_0 = arith.constant 0 : i32
    return %arg0, %c0_i32 : i32, i32
  }
}

</mosaic_0001>

<sc_bundles>
// kernel: kernel.4.cloned.1.call-start
scs
__scs_entry_jumppad:
0x0: {  	(pc) =	sbr.rel $0x88, $3  }
0x1: {  	(tag) =	ssettag $0x0;
	lr =	simm.s32 $0x1  }
0x2: {  	[smem:$0x3F9F] =	sst lr;
	_ =	strace $0xD0000000  }
0x3: {  	_ = 	snop  }
0x4: {  	_ = 	snop  }
0x5: {  	_ = 	snop  }
0x6: {  	_ = 	snop  }
0x7: {  	_ = 	snop  }
__scs_overlays_trampoline_lowered:
0x8: {  	[smem:$0x3FAE] =	sst s0  }
0x9: {  	[smem:$0x3FAF] =	sst s1  }
0xa: {  	[smem:$0x3FB0] =	sst s2  }
0xb: {  	[smem:$0x3FB1] =	sst s3  }
0xc: {  	[smem:$0x3FB2] =	sst s4  }
0xd: {  	[smem:$0x3FB3] =	sst s5  }
0xe: {  	[smem:$0x3FB4] =	sst s6  }
0xf: {  	[smem:$0x3FB5] =	sst s7  }
0x10: {  	[smem:$0x3FB6] =	sst s8  }
0x11: {  	[smem:$0x3FB7] =	sst s9;
	s0 =	simm.s32 @!p0 $0x0  }
0x12: {  	s1 =	sld [smem:$0x3F9D];
	s0 =	simm.s32 @p0 $0x1  }
0x13: {  	[smem:$0x3FB8] =	sst s0;
	s0 =	simm.s32 @!p1 $0x0  }
0x14: {  	s2 =	sld [smem:$0x3F9C];
	s0 =	simm.s32 @p1 $0x1  }
0x15: {  	[smem:$0x3FB9] =	sst s0;
	s0 =	simm.s32 @!p2 $0x0  }
0x16: {  	s3 =	sld [smem:$0x3FDB];
	s0 =	simm.s32 @p2 $0x1  }
0x17: {  	s4 =	simm.s32 $0x1BF5;
	[smem:$0x3FBB] =	sst s0  }
0x18: {  	s0 =	sld [smem:$0x3F9E];
	_ =	swait.ge [sflag:s4], $0x0  }
0x19: {  	s7 =	sld [smem:$0x3F9F]  }
0x1a: {  	s8 =	sadd.s32 $0xFFFFE003, lr  }
0x1b: {  	s9 =	sadd.s32 $0xFFFFFEF7, lr;
	s5 =	simm.s32 $0xFFFFFFFF;
	p2 =	slt.u32 s8, $0xFFFFF086  }
0x1c: {  	p1 =	slt.u32 s9, $0xF7A;
	s5 =	simm.s32 @!p2 $0x0  }
0x1d: {  	s5 =	simm.s32 @p1 $0x1;
	p0 =	seq.s32 s7, s2  }
0x1e: {  	s7 =	smul.u32 @!p0 $0xF7A, s2;
	p2 =	seq.s32 @!p0 s5, $0x0  }
0x1f: {  	s9 =	smul.u32 $0xF7A, s1;
	s8 =	simm.s32 @!p0 $0x1BF5;
	p2 =	por !p2, p0  }
0x20: {  	[sflag:s8] =	ssyncset.s32 @!p0 $0xFFFFF086;
	s6 =	sadd.s32 @!p0 s3, s7;
	s7 =	simm.s32 @!p0 $0x108  }
0x21: {  	s3 =	sadd.s32 s3, s9;
	s6 =	sadd.s32 @!p0 $0x88, s6;
	s7 =	simm.s32 @p2 $0x1082  }
0x22: {  	[simem:s7], [sflag:s8] =	dma.local @!p0 [hbm:s6], $0xF7A  }
0x23: {  	s9 =	sor.u32 $0xD0000000, s2;
	s6 =	simm.s32 $0x108;
	_ =	swait.ge @!p0 [sflag:s8], $0x0  }
0x24: {  	s3 =	sadd.s32 $0x88, s3;
	s6 =	simm.s32 @!p1 $0x1082;
	[sflag:s4] =	ssyncset.s32 $0xFFFFF086  }
0x25: {  	[simem:s6], [sflag:s4] =	dma.local [hbm:s3], $0xF7A  }
0x26: {  	[smem:$0x3F9F] =	sst s1;
	(tag) =	ssettag s2;
	_ =	strace s9  }
0x27: {  	s1 =	sld [smem:$0x3FAF]  }
0x28: {  	s2 =	sld [smem:$0x3FB0]  }
0x29: {  	s4 =	sld [smem:$0x3FB2]  }
0x2a: {  	p0 =	seq.s32 s5, $0x0;
	s5 =	sld [smem:$0x3FB3]  }
0x2b: {  	s6 =	sld [smem:$0x3FB4]  }
0x2c: {  	s7 =	sld [smem:$0x3FB5]  }
0x2d: {  	s3 =	simm.s32 $0x108;
	s8 =	sld [smem:$0x3FB6]  }
0x2e: {  	s3 =	simm.s32 @!p0 $0x1082;
	s9 =	sld [smem:$0x3FB7]  }
0x2f: {  	lr =	sadd.s32 s0, s3;
	s0 =	sld [smem:$0x3FAE]  }
0x30: {  	s3 =	sld [smem:$0x3FB1]  }
0x31: {  	[smem:$0x3FBA] =	sst s10  }
0x32: {  	s10 =	sld [smem:$0x3FB8];
	_ =	sdelay $0x3  }
0x33: {  	p0 =	seq.s32 s10, $0x1;
	s10 =	sld [smem:$0x3FBA];
	_ =	sdelay $0x3  }
0x34: {  	[smem:$0x3FBA] =	sst s10  }
0x35: {  	s10 =	sld [smem:$0x3FB9];
	_ =	sdelay $0x3  }
0x36: {  	p1 =	seq.s32 s10, $0x1;
	s10 =	sld [smem:$0x3FBA];
	_ =	sdelay $0x3  }
0x37: {  	[smem:$0x3FBA] =	sst s10  }
0x38: {  	s10 =	sld [smem:$0x3FBB]  }
0x39: {  	_ = 	snop;
	(pc) =	sbr.ind lr, $3  }
0x3a: {  	_ = 	snop  }
0x3b: {  	_ = 	snop  }
0x3c: {  	p2 =	seq.s32 s10, $0x1;
	s10 =	sld [smem:$0x3FBA]  }
0x3d: {  	_ =	shalt  }
0x3e: {  	_ =	shalt  }
0x3f: {  	_ =	shalt  }
0x40: {  	_ =	shalt  }
0x41: {  	_ =	shalt  }
0x42: {  	_ =	shalt  }
0x43: {  	_ =	shalt  }
0x44: {  	_ =	shalt  }
0x45: {  	_ =	shalt  }
0x46: {  	_ =	shalt  }
0x47: {  	_ =	shalt  }
0x48: {  	_ =	shalt  }
0x49: {  	_ =	shalt  }
0x4a: {  	_ =	shalt  }
0x4b: {  	_ =	shalt  }
0x4c: {  	_ =	shalt  }
0x4d: {  	_ =	shalt  }
0x4e: {  	_ =	shalt  }
0x4f: {  	_ =	shalt  }
0x50: {  	_ =	shalt  }
0x51: {  	_ =	shalt  }
0x52: {  	_ =	shalt  }
0x53: {  	_ =	shalt  }
0x54: {  	_ =	shalt  }
0x55: {  	_ =	shalt  }
0x56: {  	_ =	shalt  }
0x57: {  	_ =	shalt  }
0x58: {  	_ =	shalt  }
0x59: {  	_ =	shalt  }
0x5a: {  	_ =	shalt  }
0x5b: {  	_ =	shalt  }
0x5c: {  	_ =	shalt  }
0x5d: {  	_ =	shalt  }
0x5e: {  	_ =	shalt  }
0x5f: {  	_ =	shalt  }
0x60: {  	_ =	shalt  }
0x61: {  	_ =	shalt  }
0x62: {  	_ =	shalt  }
0x63: {  	_ =	shalt  }
0x64: {  	_ =	shalt  }
0x65: {  	_ =	shalt  }
0x66: {  	_ =	shalt  }
0x67: {  	_ =	shalt  }
0x68: {  	_ =	shalt  }
0x69: {  	_ =	shalt  }
0x6a: {  	_ =	shalt  }
0x6b: {  	_ =	shalt  }
0x6c: {  	_ =	shalt  }
0x6d: {  	_ =	shalt  }
0x6e: {  	_ =	shalt  }
0x6f: {  	_ =	shalt  }
0x70: {  	_ =	shalt  }
0x71: {  	_ =	shalt  }
0x72: {  	_ =	shalt  }
0x73: {  	_ =	shalt  }
0x74: {  	_ =	shalt  }
0x75: {  	_ =	shalt  }
0x76: {  	_ =	shalt  }
0x77: {  	_ =	shalt  }
0x78: {  	_ =	shalt  }
0x79: {  	_ =	shalt  }
0x7a: {  	_ =	shalt  }
0x7b: {  	_ =	shalt  }
0x7c: {  	_ =	shalt  }
0x7d: {  	_ =	shalt  }
0x7e: {  	_ =	shalt  }
0x7f: {  	_ =	shalt  }
0x80: {  	_ =	shalt  }
0x81: {  	_ =	shalt  }
0x82: {  	_ =	shalt  }
0x83: {  	_ =	shalt  }
0x84: {  	_ =	shalt  }
0x85: {  	_ =	shalt  }
0x86: {  	_ =	shalt  }
0x87: {  	_ =	shalt  }
.Lfunc_end0:
.L_simem_size_0:
called_computation_lowered:
.L_overlay_start_0:
0x88: {  	s2 =	sld [smem:$0x3FD9]  }
0x89: {  	s3 =	sld [smem:$0x3FFE];
	_ =	sdelay $0x1  }
0x8a: {  	s1 =	srdreg.scid  }
0x8b: {  	s0 =	sand.u32 $0x1, s1  }
0x8c: {  	s17 =	sshll.u32 s0, $0xA;
	s2 =	sadd.s32 s3, s2  }
0x8d: {  	s2 =	sadd.s32 s2, s17  }
0x8e: {  	[smem:$0x3FC6] =	sst s2  }
0x8f: {  	_ = 	snop  }
0x90: {  	s2 =	sld [smem:$0x3FC9]  }
0x91: {  	s18 =	sld [smem:$0x3FC8];
	(tm) =	ssettm $0x1  }
0x92: {  	s4 =	sld [smem:$0x3FFB];
	_ =	sdelay $0x3  }
0x93: {  	_ =	strace s4  }
0x94: {  	s4 =	sld [smem:$0x3FFC];
	_ =	sdelay $0x3  }
0x95: {  	_ =	strace s4  }
0x96: {  	s4 =	sld [smem:$0x3FFD];
	_ =	sdelay $0x3  }
0x97: {  	_ =	strace s4  }
0x98: {  	_ =	strace $0x8FFFFFFF  }
0x99: {  	s19 =	sld [smem:$0x3FDB];
	_ =	sdelay $0x1  }
0x9a: {  	s5 =	simm.s32 $_scs_section_size  }
0x9b: {  	s6 =	simm.s32 $_size__tile_overlayer_lowered;
	s7 =	simm.s32 $_tile_overlayer_lowered  }
0x9c: {  	s22 =	simm.s32 $0x1BFF;
	s21 =	sshll.u32 s7, $0x1;
	s4 =	sadd.s32 s5, s19  }
0x9d: {  	s8 =	simm.s32 $0x0;
	s20 =	sshll.u32 s6, $0x1;
	s6 =	sadd.s32 s21, s4  }
0x9e: {  	[timem:s8], [sflag:s22] =	dma.local [hbm:s6], s20  }
0x9f: {  	_ =	swait.ge [sflag:s22], s20  }
0xa0: {  	s5 =	ssub.s32 $0x0, s20;
	[sflag:s22] =	ssyncset.done $0x0  }
0xa1: {  	[sflag:s22] =	ssyncadd.s32 s5;
	_ =	sdelay $0x1  }
0xa2: {  	s23 =	simm.s32 $0x1B8B  }
0xa3: {  	_ =	swait.ge [sflag:s23], $0x1  }
0xa4: {  	[sflag:s23] =	ssyncset.done $0x0  }
0xa5: {  	s25 =	simm.s32 $0x1B8E;
	s24 =	sld [smem:$0x3FFE];
	[sflag:s23] =	ssyncadd.s32 $0xFFFFFFFF  }
0xa6: {  	s26 =	simm.s32 $execute0_lowered;
	[smem:$0x3FD2] =	sst s25  }
0xa7: {  	s6 =	sshll.u32 s26, $0x1;
	_ =	strace $0x80000046;
	[dreg:$0x1] =	wrdreg $0xFFFFFFFF  }
0xa8: {  	s28 =	simm.s32 $_size_execute0_lowered;
	s4 =	sadd.s32 s4, s6;
	[dreg:$0x0] =	wrdreg $0x0  }
0xa9: {  	s6 =	sshll.u32 s28, $0x1;
	[dreg:$0x2] =	wrdreg s4  }
0xaa: {  	[dreg:$0x3] =	wrdreg s6  }
0xab: {  	[dreg:$0x4] =	wrdreg $0xC0  }
0xac: {  	_ =	task [dreg:s8], $0x5FFFF  }
0xad: {  	[dreg:$0x1] =	wrdreg $0xFFFFFFFF  }
0xae: {  	[dreg:$0x0] =	wrdreg $0x60  }
0xaf: {  	[dreg:$0x2] =	wrdreg s2  }
0xb0: {  	[dreg:$0x3] =	wrdreg s18  }
0xb1: {  	[dreg:$0x4] =	wrdreg s24  }
0xb2: {  	[dreg:$0x5] =	wrdreg $0x9  }
0xb3: {  	_ =	task.clear_ibuf [dreg:s8], $0x6FFFF;
	_ =	strace $0x90000046  }
0xb4: {  	s29 =	simm.s32 $0x9;
	_ =	strace $0x80000048  }
0xb5: {  	_ =	swait.ge [sflag:s29], $0x1  }
0xb6: {  	[sflag:s29] =	ssyncadd.s32 $0xFFFFFFFF  }
0xb7: {  	_ =	strace $0x90000048  }
0xb8: {  	_ =	sfence  }
0xb9: {  	s30 =	sld [smem:$0x0];
	_ =	sdelay $0x2  }
0xba: {  	s31 =	sshll.u32 s1, $0xD;
	s1 =	sshrl.u32 s1, $0x2  }
0xbb: {  	s3 =	sand.u32 $0x4000, s31;
	s1 =	sadd.s32 s1, s30  }
0xbc: {  	s0 =	sor.u32 s3, s0;
	s1 =	sshll.u32 s1, $0x11  }
0xbd: {  	s0 =	sor.u32 s1, s0  }
0xbe: {  	s0 =	sadd.s32 $0x8F2B, s0  }
0xbf: {  	[sflag:s0] =	ssyncadd.remote.s32 $0x1  }
0xc0: {  	_ =	sfence.sel $0xFFFF  }
0xc1: {  	[dreg:$0x0] =	wrdreg $0xFFFFFFFF;
	(pc) =	sbr.abs _section_cstart, $3  }
0xc2: {  	[dreg:$0x1] =	wrdreg $0xFFFFFFFF  }
0xc3: {  	_ =	task.clear_ibuf [dreg:s8], $0x2FFFF;
	_ =	strace $0x9FFFFFFF  }
0xc4: {  	(tm) =	ssettm $0x7FFFFFFF  }
0xc5: {  	_ =	shalt  }
tec
execute0_lowered:
.L_overlay_start_1:
0x0: {  	(tag) =	ssettag $0x1  }
0x1: {  	s3 =	rddreg [dreg:$0x0]  }
0x2: {  	s4 =	rddreg [dreg:$0x1]  }
0x3: {  	s5 =	rddreg [dreg:$0x2];
	s2 =	srdreg.scid  }
0x4: {  	s1 =	stileid.u32;
	s0 =	rddreg [dreg:$0x3];
	s11 =	simm.s32 $0x0  }
0x5: {  	s6 =	sand.u32 $0x1, s2;
	s29 =	sshll.u32 s1, $0x8;
	s7 =	sshrl.u32 s1, $0x2  }
0x6: {  	s2 =	simm.s32 $0x0;
	s8 =	sshll.u32 s6, $0x7;
	s9 =	sand.u32 $0x300, s29  }
0x7: {  	s30 =	sshll.u32 s7, $0xA;
	[smem:$0x7FF] =	sst s2;
	s10 =	smul.u32 $0xC3800, s7  }
0x8: {  	s6 =	ssub.s32 $0x2, s6;
	s7 =	sshll.u32 s7, $0xE;
	s8 =	sor.u32 s8, s9  }
0x9: {  	_ =	strace $0x80000047;
	s31 =	sshrl.u32 s6, $0x1;
	s9 =	sor.u32 s30, s8  }
0xa: {  	s7 =	sor.u32 s7, s8;
	s8 =	sor.u32 s10, s8;
	s6 =	ssub.s32 s6, s31  }
0xb: {  	v0 =	vlaneseq.u32;
	s10 =	simm.s32 $0x880;
	s9 =	sshrl.u32 s9, $0x3;
	s7 =	sshrl.u32 s7, $0x3  }
0xc: {  	v3 =	vmul.u32 $0xFFFFFFFF, v0;
	s8 =	sshrl.u32 s8, $0x3;
	s6 =	smax.u32 s6, $0x1;
	s5 =	sadd.s32 s9, s5  }
0xd: {  	v1 =	vimm.s32 $0x7FE;
	v2 =	vimm.s32 $0x7FF;
	s3 =	sadd.s32 s3, s7;
	s4 =	sadd.s32 s4, s8;
	s7 =	simm.s32 $0x80  }
0xe: {  	v4 =	vimm.f32 $-Inf;
	v0 =	vimm.s32 $0x0;
	v3 =	vadd.s32 $0x7FE, v3;
	s8 =	simm.s32 $0x400;
	s9 =	simm.s32 $0x1;
	s5 =	sadd.s32 $0x600, s5  }
.LBB2_1:
0xf: {  	[tilespmem:s2], [sflag:$0x1] =	stream.strided.gather [hbm4b:s3+s7], $0x800, s8, s7, $0x38;
	[tilespmem:$0x900] =	vst v63  }
0x10: {  	_ =	swait.ge [sflag:s9], $0x800  }
0x11: {  	[sflag:s9] =	ssyncset.done $0x0  }
0x12: {  	[sflag:s9] =	ssyncadd.s32 $0xFFFFF800  }
0x13: {  	[tilespmem:s10], [sflag:$0x1] =	stream.linear.gather [hbm4b:s4+s2], $0x80, $0x38;
	[tilespmem:$0x900] =	vst v63  }
0x14: {  	_ =	swait.ge [sflag:s9], $0x80  }
0x15: {  	[sflag:s9] =	ssyncset.done $0x0  }
0x16: {  	[sflag:s9] =	ssyncadd.s32 $0xFFFFFF80  }
0x17: {  	[tilespmem:$0x800] =	vst v0  }
0x18: {  	v5 =	vld.idx.msk [tilespmem:v1+s2+$0x0], $0xffff  }
0x19: {  	s12 =	simm.s32 $0x2;
	v6 =	vld.idx.msk [tilespmem:v2+s2+$0x0], $0xffff  }
0x1a: {  	v7 =	vld [tilespmem:s12+$0xFFFFFFFE]  }
0x1b: {  	s14 =	simm.s32 $0x10;
	s13 =	simm.s32 $0x0;
	v8 =	vld [tilespmem:s12+$0xFFFFFFFF]  }
.LBB2_2:
0x1c: {  	p0 =	sne.s32 s14, $0x7F0  }
0x1d: {  	v9 =	vld [tilespmem:s12+$0x0];
	_ =	sdelay $0x2  }
0x1e: {  	vm0 =	veq.s32 v7, v5;
	v7 =	vmov s13;
	s13 =	smov.u32 s14;
	vm1 =	veq.s32 v8, v6  }
0x1f: {  	vm0 =	vmand vm0, vm1;
	vm1 =	vlt.u32 v7, v3  }
0x20: {  	vm0 =	vmand vm1, vm0;
	vm1 =	vlt.u32 v9, $0x80  }
0x21: {  	vm0 =	vmand vm1, vm0;
	_ =	sdelay $0x3  }
.Ltmp0:
0x22: {  	(pc) =	sbr.rel @p0 .LBB2_2-.Ltmp0, $4  }
0x23: {  	_ = 	snop  }
0x24: {  	s12 =	sadd.s32 $0x10, s12;
	[tilespmem:v9+s10+$0x0] =	vst.idx.msk vm0, v4  }
0x25: {  	v7 =	vld [tilespmem:s12+$0xFFFFFFFE]  }
0x26: {  	s14 =	sadd.s32 $0x10, s14;
	v8 =	vld [tilespmem:s12+$0xFFFFFFFF]  }
0x27: {  	_ = 	snop  }
0x28: {  	v9 =	vld [tilespmem:s12+$0x0];
	_ =	sdelay $0x2  }
0x29: {  	vm0 =	veq.s32 v7, v5;
	v5 =	vmov s13;
	vm1 =	veq.s32 v8, v6  }
0x2a: {  	vm14 =	vlt.u32 v5, v3;
	vm0 =	vmand vm0, vm1  }
0x2b: {  	vm15 =	vlt.u32 v9, $0x80;
	vm0 =	vmand vm14, vm0  }
0x2c: {  	vm0 =	vmand vm15, vm0;
	_ =	sdelay $0x3  }
0x2d: {  	s11 =	sadd.s32 $0x1, s11  }
0x2e: {  	p0 =	sne.s32 s11, s6  }
.Ltmp1:
0x2f: {  	[tilespmem:v9+s10+$0x0] =	vst.idx.msk vm0, v4;
	(pc) =	sbr.rel @p0 .LBB2_1-.Ltmp1, $4  }
0x30: {  	[hbm4b:s5+s2] =	stream.linear.scatter [tilespmem:s10], [sflag:$0x1], $0x80, $0x38;
	[tilespmem:$0x900] =	vst v63  }
0x31: {  	_ =	swait.ge [sflag:s9], $0x80  }
0x32: {  	[sflag:s9] =	ssyncset.done $0x0  }
0x33: {  	[sflag:s9] =	ssyncadd.s32 $0xFFFFFF80  }
0x34: {  	_ =	sfence.sel $0x180000  }
0x35: {  	[bflag:$0x0] =	sbarrier.arrive $0xFFFF  }
0x36: {  	p0 =	sne.s32 s1, $0x0;
	_ =	strace $0x90000047  }
0x37: {  	s0 =	sadd.s32 @!p0 $0x100000, s0;
	[bflag:$0x2] =	sbarrier.arrive $0xFFFF  }
0x38: {  	[sflag:s0] =	ssyncadd.tile.s32 @!p0 $0x1;
	_ =	shalt  }
.Lfunc_end2:
_tile_overlayer_lowered:
.L_overlay_start_2:
0x39: {  	(tag) =	ssettag $0x2  }
0x3a: {  	s0 =	rddreg [dreg:$0x0];
	s2 =	stileid.u32  }
0x3b: {  	s1 =	rddreg [dreg:$0x1];
	p0 =	sne.s32 s2, $0x0  }
0x3c: {  	s3 =	rddreg [dreg:$0x2];
	[bflag:$0x3] =	sbarrier.arrive $0xFFFF;
	s2 =	simm.s32 @!p0 $0x1C01  }
0x3d: {  	[timem:s3], [sflag:s2] =	dma.local @!p0 [hbm:s0], s1  }
0x3e: {  	s0 =	simm.s32 @!p0 $0x1  }
0x3f: {  	_ =	swait.ge @!p0 [sflag:s0], s1  }
0x40: {  	s1 =	ssub.s32 @!p0 $0x0, s1;
	[sflag:s0] =	ssyncset.done @!p0 $0x0  }
0x41: {  	[sflag:s0] =	ssyncadd.s32 @!p0 s1  }
0x42: {  	[bflag:$0x3] =	sbarrier.arrive $0xFFFF  }
0x43: {  	_ =	shalt  }

</sc_bundles>
